<compile_context>
chip_gen: v7x
topology: tpu7x:2x2x1
jax: 0.10.2.dev20260603
libtpu: 0.0.44.dev20260713+nightly
codegen_flags: <defaults>
</compile_context>

<pallas_src>
import functools

import jax
import jax.numpy as jnp
from jax import lax
from jax.experimental import pallas as pl
from jax.experimental.pallas import tpu as pltpu
from jax.experimental.pallas import tpu_sc as plsc


@functools.lru_cache(maxsize=None)
def _build_lookup(B: int, T: int, V: int, D: int):
    info = plsc.get_sparse_core_info()
    NC, NS, L = info.num_cores, info.num_subcores, info.num_lanes
    NW = NC * NS
    SUB, LANE = 8, 128
    VP = (V + 7) // 8 * 8
    assert D == 2 * SUB and B % (NW * LANE) == 0 and T % SUB == 0
    TT = T // SUB
    BPW = B // (NW * LANE)
    UNITS = TT * BPW
    assert UNITS % 2 == 0
    K = LANE // L

    mesh = plsc.VectorSubcoreMesh(core_axis_name="c", subcore_axis_name="s")

    @functools.partial(
        pl.kernel,
        mesh=mesh,
        out_type=jax.ShapeDtypeStruct((T, D, B), jnp.float32),
        scratch_types=[
            pltpu.VMEM((VP * D,), jnp.float32),
            pltpu.VMEM((SUB, LANE), jnp.int32),
            pltpu.VMEM((SUB, LANE), jnp.int32),
            pltpu.VMEM((SUB, D, LANE), jnp.float32),
            pltpu.VMEM((SUB, D, LANE), jnp.float32),
            pltpu.SemaphoreType.DMA,
            pltpu.SemaphoreType.DMA,
            pltpu.SemaphoreType.DMA,
            pltpu.SemaphoreType.DMA,
        ],
        compiler_params=pltpu.CompilerParams(needs_layout_passes=False),
    )
    def lookup(seq_hbm, tab_hbm, out_hbm, tab_v, seq0, seq1, outb0, outb1,
               sem_i0, sem_i1, sem_o0, sem_o1):
        wid = lax.axis_index("s") * NC + lax.axis_index("c")
        bbase = wid * (BPW * LANE)

        pltpu.sync_copy(tab_hbm, tab_v)

        def unit_pos(u):
            t0 = (u // BPW) * SUB
            b0 = bbase + (u % BPW) * LANE
            return t0, b0

        def start_in(u, seq_b, sem_i):
            t0, b0 = unit_pos(u)
            pltpu.async_copy(
                seq_hbm.at[pl.ds(t0, SUB), pl.ds(b0, LANE)], seq_b, sem_i)

        start_in(0, seq0, sem_i0)
        start_in(1, seq1, sem_i1)

        def expand(seq_b, out_b):
            @functools.partial(plsc.parallel_loop, 0, SUB * K, unroll=2)
            def _(g):
                t = g // K
                k = g % K
                sv = seq_b[t, pl.ds(k * L, L)]
                cols = [plsc.load_gather(tab_v.at[pl.ds(d * VP, V)], [sv])
                        for d in range(D)]
                for d in range(D):
                    out_b[t, d, pl.ds(k * L, L)] = cols[d]

        def half(u, seq_b, out_b, sem_i, sem_o):
            pltpu.make_async_copy(
                seq_hbm.at[pl.ds(0, SUB), pl.ds(0, LANE)], seq_b, sem_i).wait()

            @pl.when(u >= 2)
            def _():
                pltpu.make_async_copy(
                    out_b, out_hbm.at[pl.ds(0, SUB), pl.ds(0, D),
                                      pl.ds(0, LANE)], sem_o).wait()

            expand(seq_b, out_b)
            t0, b0 = unit_pos(u)
            pltpu.async_copy(
                out_b,
                out_hbm.at[pl.ds(t0, SUB), pl.ds(0, D), pl.ds(b0, LANE)],
                sem_o)

            @pl.when(u + 2 < UNITS)
            def _():
                start_in(u + 2, seq_b, sem_i)

        def pair(p, carry):
            half(2 * p, seq0, outb0, sem_i0, sem_o0)
            half(2 * p + 1, seq1, outb1, sem_i1, sem_o1)
            return carry

        lax.fori_loop(0, UNITS // 2, pair, 0)
        pltpu.make_async_copy(
            outb0, out_hbm.at[pl.ds(0, SUB), pl.ds(0, D), pl.ds(0, LANE)],
            sem_o0).wait()
        pltpu.make_async_copy(
            outb1, out_hbm.at[pl.ds(0, SUB), pl.ds(0, D), pl.ds(0, LANE)],
            sem_o1).wait()

    return lookup


def kernel(seq, emb_weight):
    B, T = seq.shape
    V, D = emb_weight.shape
    seq_t = jnp.transpose(seq).astype(jnp.int32)
    VP = (V + 7) // 8 * 8
    tab_cm = jnp.pad(jnp.transpose(emb_weight), ((0, 0), (0, VP - V))
                     ).reshape(D * VP)
    out_t = _build_lookup(B, T, V, D)(seq_t, tab_cm)
    return jnp.transpose(out_t, (2, 0, 1))

# --- scband reference (transcript-rebuilt; emitter-appended) ---
"""Pipeline reference for scband-aaembedding-2628519985583 (READ-ONLY COPY).

The authoritative reference and input builder live on the scoring server;
editing this copy changes nothing except your own understanding.
"""

import jax, jax.numpy as jnp
import numpy as np

def setup_inputs(seed: int = 0) -> dict:
    key = jax.random.key(seed)
    k1, k2 = jax.random.split(key)
    seq = jax.random.randint(k1, (16384, 200), 0, 20, dtype=jnp.int64 if jax.config.jax_enable_x64 else jnp.int32)
    emb_weight = jax.random.normal(k2, (20, 16), dtype=jnp.float32)
    return {"seq": seq, "emb_weight": emb_weight}

def reference(seq, emb_weight):
    # nn.Embedding forward: gather rows of the table by integer index
    return jnp.take(emb_weight, seq, axis=0)

if __name__ == "__main__":
    import jax
    _d = setup_inputs()
    print(jax.jit(kernel)(*tuple(_d.values())))

</pallas_src>

<mosaic_0001>
#map = affine_map<(d0, d1) -> (0, 0)>
#map1 = affine_map<(d0, d1) -> (0)>
#map2 = affine_map<(d0, d1) -> (0, 0, 0)>
module attributes {stable_mosaic.version = 14 : i64} {
  func.func @lookup(%arg0: i32, %arg1: i32, %arg2: memref<200x16384xi32, #tpu.memory_space<hbm>>, %arg3: memref<384xf32, #tpu.memory_space<hbm>>, %arg4: memref<200x16x16384xf32, #tpu.memory_space<hbm>>, %arg5: memref<384xf32, #tpu.memory_space<vmem>>, %arg6: memref<8x128xi32, #tpu.memory_space<vmem>>, %arg7: memref<8x128xi32, #tpu.memory_space<vmem>>, %arg8: memref<8x16x128xf32, #tpu.memory_space<vmem>>, %arg9: memref<8x16x128xf32, #tpu.memory_space<vmem>>, %arg10: memref<!tpu.dma_semaphore, #tpu.memory_space<semaphore_mem>>, %arg11: memref<!tpu.dma_semaphore, #tpu.memory_space<semaphore_mem>>, %arg12: memref<!tpu.dma_semaphore, #tpu.memory_space<semaphore_mem>>, %arg13: memref<!tpu.dma_semaphore, #tpu.memory_space<semaphore_mem>>) attributes {dimension_semantics = [#tpu.dimension_semantics<core_parallel>, #tpu.dimension_semantics<subcore_parallel>], iteration_bounds = array<i64: 2, 16>, scalar_prefetch = 0 : i64, scratch_operands = 9 : i64, tpu.core_type = #tpu.core_type<sc_vector_subcore>, window_params = [{transform_indices = #map}, {transform_indices = #map1}, {transform_indices = #map2}]} {
    %mul3A = arith.constant 2 : i32
    %mul3A_0 = arith.muli %arg1, %mul3A : i32
    %add3A = arith.addi %mul3A_0, %arg0 : i32
    %mul3A_1 = arith.constant 512 : i32
    %mul3A_2 = arith.muli %add3A, %mul3A_1 : i32
    "tpu.region"() ({
      %run_scoped3A = tpu.sem_alloc : memref<!tpu.dma_semaphore, #tpu.memory_space<semaphore_mem>>
      tpu.enqueue_dma source(%arg3 : memref<384xf32, #tpu.memory_space<hbm>>) target(%arg5 : memref<384xf32, #tpu.memory_space<vmem>>) target_semaphore(%run_scoped3A : memref<!tpu.dma_semaphore, #tpu.memory_space<semaphore_mem>>)
      tpu.wait_dma2 semaphore(%run_scoped3A : memref<!tpu.dma_semaphore, #tpu.memory_space<semaphore_mem>>) src(%arg3 : memref<384xf32, #tpu.memory_space<hbm>>) dst(%arg5 : memref<384xf32, #tpu.memory_space<vmem>>)
      tpu.yield
    }) : () -> ()
    %add3A_3 = arith.constant 0 : i32
    %add3A_4 = arith.addi %mul3A_2, %add3A_3 : i32
    %dma_start3A = arith.constant 0 : i32
    %dma_start3A_5 = tpu.memref_slice %arg2[%dma_start3A, %add3A_4] : memref<200x16384xi32, #tpu.memory_space<hbm>> -> memref<8x128xi32, #tpu.memory_space<hbm>>
    %dma_start3A_6 = arith.constant 0 : i32
    %dma_start3A_7 = tpu.memref_slice %arg2[%dma_start3A_6, %add3A_4] : memref<200x16384xi32, #tpu.memory_space<hbm>> -> memref<8x128xi32, #tpu.memory_space<hbm>>
    tpu.enqueue_dma source(%dma_start3A_7 : memref<8x128xi32, #tpu.memory_space<hbm>>) target(%arg6 : memref<8x128xi32, #tpu.memory_space<vmem>>) target_semaphore(%arg10 : memref<!tpu.dma_semaphore, #tpu.memory_space<semaphore_mem>>)
    %add3A_8 = arith.constant 128 : i32
    %add3A_9 = arith.addi %mul3A_2, %add3A_8 : i32
    %dma_start3A_10 = arith.constant 0 : i32
    %dma_start3A_11 = tpu.memref_slice %arg2[%dma_start3A_10, %add3A_9] : memref<200x16384xi32, #tpu.memory_space<hbm>> -> memref<8x128xi32, #tpu.memory_space<hbm>>
    %dma_start3A_12 = arith.constant 0 : i32
    %dma_start3A_13 = tpu.memref_slice %arg2[%dma_start3A_12, %add3A_9] : memref<200x16384xi32, #tpu.memory_space<hbm>> -> memref<8x128xi32, #tpu.memory_space<hbm>>
    tpu.enqueue_dma source(%dma_start3A_13 : memref<8x128xi32, #tpu.memory_space<hbm>>) target(%arg7 : memref<8x128xi32, #tpu.memory_space<vmem>>) target_semaphore(%arg11 : memref<!tpu.dma_semaphore, #tpu.memory_space<semaphore_mem>>)
    %scan3A = arith.constant 0 : i32
    %scan3A_14 = arith.constant 0 : i32
    %scan3A_15 = arith.constant 50 : i32
    %scan3A_16 = arith.addi %scan3A_14, %scan3A_15 : i32
    %scan3A_17 = arith.constant 1 : i32
    scf.for %scan3A_34 = %scan3A_14 to %scan3A_16 step %scan3A_17  : i32 {
      %mul3A_35 = arith.constant 2 : i32
      %mul3A_36 = arith.muli %mul3A_35, %scan3A_34 : i32
      %dma_wait3A_37 = arith.constant 0 : i32
      %dma_wait3A_38 = arith.constant 0 : i32
      %dma_wait3A_39 = tpu.memref_slice %arg2[%dma_wait3A_37, %dma_wait3A_38] : memref<200x16384xi32, #tpu.memory_space<hbm>> -> memref<8x128xi32, #tpu.memory_space<hbm>>
      %dma_wait3A_40 = arith.constant 0 : i32
      %dma_wait3A_41 = arith.constant 0 : i32
      %dma_wait3A_42 = tpu.memref_slice %arg2[%dma_wait3A_40, %dma_wait3A_41] : memref<200x16384xi32, #tpu.memory_space<hbm>> -> memref<8x128xi32, #tpu.memory_space<hbm>>
      tpu.wait_dma2 semaphore(%arg10 : memref<!tpu.dma_semaphore, #tpu.memory_space<semaphore_mem>>) src(%dma_wait3A_42 : memref<8x128xi32, #tpu.memory_space<hbm>>) dst(%arg6 : memref<8x128xi32, #tpu.memory_space<vmem>>)
      %ge3A = arith.constant 2 : i32
      %ge3A_43 = arith.cmpi sge, %mul3A_36, %ge3A : i32
      %convert_element_type3A = arith.extui %ge3A_43 : i1 to i32
      %cond3A = arith.constant 0 : i32
      %cond3A_44 = arith.cmpi ne, %convert_element_type3A, %cond3A : i32
      scf.if %cond3A_44 {
        %dma_wait3A_162 = arith.constant 0 : i32
        %dma_wait3A_163 = arith.constant 0 : i32
        %dma_wait3A_164 = arith.constant 0 : i32
        %dma_wait3A_165 = tpu.memref_slice %arg4[%dma_wait3A_162, %dma_wait3A_163, %dma_wait3A_164] : memref<200x16x16384xf32, #tpu.memory_space<hbm>> -> memref<8x16x128xf32, #tpu.memory_space<hbm>>
        %dma_wait3A_166 = arith.constant 0 : i32
        %dma_wait3A_167 = arith.constant 0 : i32
        %dma_wait3A_168 = arith.constant 0 : i32
        %dma_wait3A_169 = tpu.memref_slice %arg4[%dma_wait3A_166, %dma_wait3A_167, %dma_wait3A_168] : memref<200x16x16384xf32, #tpu.memory_space<hbm>> -> memref<8x16x128xf32, #tpu.memory_space<hbm>>
        tpu.wait_dma2 semaphore(%arg12 : memref<!tpu.dma_semaphore, #tpu.memory_space<semaphore_mem>>) src(%arg8 : memref<8x16x128xf32, #tpu.memory_space<vmem>>) dst(%dma_wait3A_169 : memref<8x16x128xf32, #tpu.memory_space<hbm>>)
      } else {
      }
      %jit3A = arith.constant 4 : i32
      %div3A = arith.divsi %mul3A_36, %jit3A : i32
      %sign3A = arith.constant 0 : i32
      %sign3A_45 = arith.cmpi sgt, %mul3A_36, %sign3A : i32
      %sign3A_46 = arith.extui %sign3A_45 : i1 to i32
      %sign3A_47 = arith.constant 0 : i32
      %sign3A_48 = arith.cmpi slt, %mul3A_36, %sign3A_47 : i32
      %sign3A_49 = arith.extui %sign3A_48 : i1 to i32
      %sign3A_50 = arith.subi %sign3A_46, %sign3A_49 : i32
      %sign3A_51 = arith.constant 0 : i32
      %sign3A_52 = arith.cmpi sgt, %jit3A, %sign3A_51 : i32
      %sign3A_53 = arith.extui %sign3A_52 : i1 to i32
      %sign3A_54 = arith.constant 0 : i32
      %sign3A_55 = arith.cmpi slt, %jit3A, %sign3A_54 : i32
      %sign3A_56 = arith.extui %sign3A_55 : i1 to i32
      %sign3A_57 = arith.subi %sign3A_53, %sign3A_56 : i32
      %ne3A = arith.cmpi ne, %sign3A_50, %sign3A_57 : i32
      %rem3A = arith.remsi %mul3A_36, %jit3A : i32
      %ne3A_58 = arith.constant 0 : i32
      %ne3A_59 = arith.cmpi ne, %rem3A, %ne3A_58 : i32
      %and3A = arith.andi %ne3A, %ne3A_59 : i1
      %sub3A = arith.constant 1 : i32
      %sub3A_60 = arith.subi %div3A, %sub3A : i32
      %select_n3A = arith.select %and3A, %sub3A_60, %div3A : i32
      %mul3A_61 = arith.constant 8 : i32
      %mul3A_62 = arith.muli %select_n3A, %mul3A_61 : i32
      %jit3A_63 = arith.constant 4 : i32
      %eq3A = arith.constant 0 : i32
      %eq3A_64 = arith.cmpi eq, %jit3A_63, %eq3A : i32
      %jit3A_65 = arith.constant 1 : i32
      %select_n3A_66 = arith.select %eq3A_64, %jit3A_65, %jit3A_63 : i32
      %rem3A_67 = arith.remsi %mul3A_36, %select_n3A_66 : i32
      %ne3A_68 = arith.constant 0 : i32
      %ne3A_69 = arith.cmpi ne, %rem3A_67, %ne3A_68 : i32
      %lt3A = arith.constant 0 : i32
      %lt3A_70 = arith.cmpi slt, %rem3A_67, %lt3A : i32
      %lt3A_71 = arith.constant 0 : i32
      %lt3A_72 = arith.cmpi slt, %select_n3A_66, %lt3A_71 : i32
      %ne3A_73 = arith.xori %lt3A_70, %lt3A_72 : i1
      %and3A_74 = arith.andi %ne3A_73, %ne3A_69 : i1
      %add3A_75 = arith.addi %rem3A_67, %select_n3A_66 : i32
      %select_n3A_76 = arith.select %and3A_74, %add3A_75, %rem3A_67 : i32
      %mul3A_77 = arith.constant 128 : i32
      %mul3A_78 = arith.muli %select_n3A_76, %mul3A_77 : i32
      %add3A_79 = arith.addi %mul3A_2, %mul3A_78 : i32
      %dma_start3A_80 = arith.constant 0 : i32
      %dma_start3A_81 = tpu.memref_slice %arg4[%mul3A_62, %dma_start3A_80, %add3A_79] : memref<200x16x16384xf32, #tpu.memory_space<hbm>> -> memref<8x16x128xf32, #tpu.memory_space<hbm>>
      %dma_start3A_82 = arith.constant 0 : i32
      %dma_start3A_83 = tpu.memref_slice %arg4[%mul3A_62, %dma_start3A_82, %add3A_79] : memref<200x16x16384xf32, #tpu.memory_space<hbm>> -> memref<8x16x128xf32, #tpu.memory_space<hbm>>
      tpu.enqueue_dma source(%arg8 : memref<8x16x128xf32, #tpu.memory_space<vmem>>) target(%dma_start3A_83 : memref<8x16x128xf32, #tpu.memory_space<hbm>>) target_semaphore(%arg12 : memref<!tpu.dma_semaphore, #tpu.memory_space<semaphore_mem>>)
      %add3A_84 = arith.constant 2 : i32
      %add3A_85 = arith.addi %mul3A_36, %add3A_84 : i32
      %lt3A_86 = arith.constant 100 : i32
      %lt3A_87 = arith.cmpi slt, %add3A_85, %lt3A_86 : i32
      %convert_element_type3A_88 = arith.extui %lt3A_87 : i1 to i32
      %cond3A_89 = arith.constant 0 : i32
      %cond3A_90 = arith.cmpi ne, %convert_element_type3A_88, %cond3A_89 : i32
      scf.if %cond3A_90 {
        %add3A_162 = arith.constant 2 : i32
        %add3A_163 = arith.addi %mul3A_36, %add3A_162 : i32
        %jit3A_164 = arith.constant 4 : i32
        %div3A_165 = arith.divsi %add3A_163, %jit3A_164 : i32
        %sign3A_166 = arith.constant 0 : i32
        %sign3A_167 = arith.cmpi sgt, %add3A_163, %sign3A_166 : i32
        %sign3A_168 = arith.extui %sign3A_167 : i1 to i32
        %sign3A_169 = arith.constant 0 : i32
        %sign3A_170 = arith.cmpi slt, %add3A_163, %sign3A_169 : i32
        %sign3A_171 = arith.extui %sign3A_170 : i1 to i32
        %sign3A_172 = arith.subi %sign3A_168, %sign3A_171 : i32
        %sign3A_173 = arith.constant 0 : i32
        %sign3A_174 = arith.cmpi sgt, %jit3A_164, %sign3A_173 : i32
        %sign3A_175 = arith.extui %sign3A_174 : i1 to i32
        %sign3A_176 = arith.constant 0 : i32
        %sign3A_177 = arith.cmpi slt, %jit3A_164, %sign3A_176 : i32
        %sign3A_178 = arith.extui %sign3A_177 : i1 to i32
        %sign3A_179 = arith.subi %sign3A_175, %sign3A_178 : i32
        %ne3A_180 = arith.cmpi ne, %sign3A_172, %sign3A_179 : i32
        %rem3A_181 = arith.remsi %add3A_163, %jit3A_164 : i32
        %ne3A_182 = arith.constant 0 : i32
        %ne3A_183 = arith.cmpi ne, %rem3A_181, %ne3A_182 : i32
        %and3A_184 = arith.andi %ne3A_180, %ne3A_183 : i1
        %sub3A_185 = arith.constant 1 : i32
        %sub3A_186 = arith.subi %div3A_165, %sub3A_185 : i32
        %select_n3A_187 = arith.select %and3A_184, %sub3A_186, %div3A_165 : i32
        %mul3A_188 = arith.constant 8 : i32
        %mul3A_189 = arith.muli %select_n3A_187, %mul3A_188 : i32
        %jit3A_190 = arith.constant 4 : i32
        %eq3A_191 = arith.constant 0 : i32
        %eq3A_192 = arith.cmpi eq, %jit3A_190, %eq3A_191 : i32
        %jit3A_193 = arith.constant 1 : i32
        %select_n3A_194 = arith.select %eq3A_192, %jit3A_193, %jit3A_190 : i32
        %rem3A_195 = arith.remsi %add3A_163, %select_n3A_194 : i32
        %ne3A_196 = arith.constant 0 : i32
        %ne3A_197 = arith.cmpi ne, %rem3A_195, %ne3A_196 : i32
        %lt3A_198 = arith.constant 0 : i32
        %lt3A_199 = arith.cmpi slt, %rem3A_195, %lt3A_198 : i32
        %lt3A_200 = arith.constant 0 : i32
        %lt3A_201 = arith.cmpi slt, %select_n3A_194, %lt3A_200 : i32
        %ne3A_202 = arith.xori %lt3A_199, %lt3A_201 : i1
        %and3A_203 = arith.andi %ne3A_202, %ne3A_197 : i1
        %add3A_204 = arith.addi %rem3A_195, %select_n3A_194 : i32
        %select_n3A_205 = arith.select %and3A_203, %add3A_204, %rem3A_195 : i32
        %mul3A_206 = arith.constant 128 : i32
        %mul3A_207 = arith.muli %select_n3A_205, %mul3A_206 : i32
        %add3A_208 = arith.addi %mul3A_2, %mul3A_207 : i32
        %dma_start3A_209 = tpu.memref_slice %arg2[%mul3A_189, %add3A_208] : memref<200x16384xi32, #tpu.memory_space<hbm>> -> memref<8x128xi32, #tpu.memory_space<hbm>>
        %dma_start3A_210 = tpu.memref_slice %arg2[%mul3A_189, %add3A_208] : memref<200x16384xi32, #tpu.memory_space<hbm>> -> memref<8x128xi32, #tpu.memory_space<hbm>>
        tpu.enqueue_dma source(%dma_start3A_210 : memref<8x128xi32, #tpu.memory_space<hbm>>) target(%arg6 : memref<8x128xi32, #tpu.memory_space<vmem>>) target_semaphore(%arg10 : memref<!tpu.dma_semaphore, #tpu.memory_space<semaphore_mem>>)
      } else {
      }
      %mul3A_91 = arith.constant 2 : i32
      %mul3A_92 = arith.muli %mul3A_91, %scan3A_34 : i32
      %add3A_93 = arith.constant 1 : i32
      %add3A_94 = arith.addi %mul3A_92, %add3A_93 : i32
      %dma_wait3A_95 = arith.constant 0 : i32
      %dma_wait3A_96 = arith.constant 0 : i32
      %dma_wait3A_97 = tpu.memref_slice %arg2[%dma_wait3A_95, %dma_wait3A_96] : memref<200x16384xi32, #tpu.memory_space<hbm>> -> memref<8x128xi32, #tpu.memory_space<hbm>>
      %dma_wait3A_98 = arith.constant 0 : i32
      %dma_wait3A_99 = arith.constant 0 : i32
      %dma_wait3A_100 = tpu.memref_slice %arg2[%dma_wait3A_98, %dma_wait3A_99] : memref<200x16384xi32, #tpu.memory_space<hbm>> -> memref<8x128xi32, #tpu.memory_space<hbm>>
      tpu.wait_dma2 semaphore(%arg11 : memref<!tpu.dma_semaphore, #tpu.memory_space<semaphore_mem>>) src(%dma_wait3A_100 : memref<8x128xi32, #tpu.memory_space<hbm>>) dst(%arg7 : memref<8x128xi32, #tpu.memory_space<vmem>>)
      %ge3A_101 = arith.constant 2 : i32
      %ge3A_102 = arith.cmpi sge, %add3A_94, %ge3A_101 : i32
      %convert_element_type3A_103 = arith.extui %ge3A_102 : i1 to i32
      %cond3A_104 = arith.constant 0 : i32
      %cond3A_105 = arith.cmpi ne, %convert_element_type3A_103, %cond3A_104 : i32
      scf.if %cond3A_105 {
        %dma_wait3A_162 = arith.constant 0 : i32
        %dma_wait3A_163 = arith.constant 0 : i32
        %dma_wait3A_164 = arith.constant 0 : i32
        %dma_wait3A_165 = tpu.memref_slice %arg4[%dma_wait3A_162, %dma_wait3A_163, %dma_wait3A_164] : memref<200x16x16384xf32, #tpu.memory_space<hbm>> -> memref<8x16x128xf32, #tpu.memory_space<hbm>>
        %dma_wait3A_166 = arith.constant 0 : i32
        %dma_wait3A_167 = arith.constant 0 : i32
        %dma_wait3A_168 = arith.constant 0 : i32
        %dma_wait3A_169 = tpu.memref_slice %arg4[%dma_wait3A_166, %dma_wait3A_167, %dma_wait3A_168] : memref<200x16x16384xf32, #tpu.memory_space<hbm>> -> memref<8x16x128xf32, #tpu.memory_space<hbm>>
        tpu.wait_dma2 semaphore(%arg13 : memref<!tpu.dma_semaphore, #tpu.memory_space<semaphore_mem>>) src(%arg9 : memref<8x16x128xf32, #tpu.memory_space<vmem>>) dst(%dma_wait3A_169 : memref<8x16x128xf32, #tpu.memory_space<hbm>>)
      } else {
      }
      %jit3A_106 = arith.constant 4 : i32
      %div3A_107 = arith.divsi %add3A_94, %jit3A_106 : i32
      %sign3A_108 = arith.constant 0 : i32
      %sign3A_109 = arith.cmpi sgt, %add3A_94, %sign3A_108 : i32
      %sign3A_110 = arith.extui %sign3A_109 : i1 to i32
      %sign3A_111 = arith.constant 0 : i32
      %sign3A_112 = arith.cmpi slt, %add3A_94, %sign3A_111 : i32
      %sign3A_113 = arith.extui %sign3A_112 : i1 to i32
      %sign3A_114 = arith.subi %sign3A_110, %sign3A_113 : i32
      %sign3A_115 = arith.constant 0 : i32
      %sign3A_116 = arith.cmpi sgt, %jit3A_106, %sign3A_115 : i32
      %sign3A_117 = arith.extui %sign3A_116 : i1 to i32
      %sign3A_118 = arith.constant 0 : i32
      %sign3A_119 = arith.cmpi slt, %jit3A_106, %sign3A_118 : i32
      %sign3A_120 = arith.extui %sign3A_119 : i1 to i32
      %sign3A_121 = arith.subi %sign3A_117, %sign3A_120 : i32
      %ne3A_122 = arith.cmpi ne, %sign3A_114, %sign3A_121 : i32
      %rem3A_123 = arith.remsi %add3A_94, %jit3A_106 : i32
      %ne3A_124 = arith.constant 0 : i32
      %ne3A_125 = arith.cmpi ne, %rem3A_123, %ne3A_124 : i32
      %and3A_126 = arith.andi %ne3A_122, %ne3A_125 : i1
      %sub3A_127 = arith.constant 1 : i32
      %sub3A_128 = arith.subi %div3A_107, %sub3A_127 : i32
      %select_n3A_129 = arith.select %and3A_126, %sub3A_128, %div3A_107 : i32
      %mul3A_130 = arith.constant 8 : i32
      %mul3A_131 = arith.muli %select_n3A_129, %mul3A_130 : i32
      %jit3A_132 = arith.constant 4 : i32
      %eq3A_133 = arith.constant 0 : i32
      %eq3A_134 = arith.cmpi eq, %jit3A_132, %eq3A_133 : i32
      %jit3A_135 = arith.constant 1 : i32
      %select_n3A_136 = arith.select %eq3A_134, %jit3A_135, %jit3A_132 : i32
      %rem3A_137 = arith.remsi %add3A_94, %select_n3A_136 : i32
      %ne3A_138 = arith.constant 0 : i32
      %ne3A_139 = arith.cmpi ne, %rem3A_137, %ne3A_138 : i32
      %lt3A_140 = arith.constant 0 : i32
      %lt3A_141 = arith.cmpi slt, %rem3A_137, %lt3A_140 : i32
      %lt3A_142 = arith.constant 0 : i32
      %lt3A_143 = arith.cmpi slt, %select_n3A_136, %lt3A_142 : i32
      %ne3A_144 = arith.xori %lt3A_141, %lt3A_143 : i1
      %and3A_145 = arith.andi %ne3A_144, %ne3A_139 : i1
      %add3A_146 = arith.addi %rem3A_137, %select_n3A_136 : i32
      %select_n3A_147 = arith.select %and3A_145, %add3A_146, %rem3A_137 : i32
      %mul3A_148 = arith.constant 128 : i32
      %mul3A_149 = arith.muli %select_n3A_147, %mul3A_148 : i32
      %add3A_150 = arith.addi %mul3A_2, %mul3A_149 : i32
      %dma_start3A_151 = arith.constant 0 : i32
      %dma_start3A_152 = tpu.memref_slice %arg4[%mul3A_131, %dma_start3A_151, %add3A_150] : memref<200x16x16384xf32, #tpu.memory_space<hbm>> -> memref<8x16x128xf32, #tpu.memory_space<hbm>>
      %dma_start3A_153 = arith.constant 0 : i32
      %dma_start3A_154 = tpu.memref_slice %arg4[%mul3A_131, %dma_start3A_153, %add3A_150] : memref<200x16x16384xf32, #tpu.memory_space<hbm>> -> memref<8x16x128xf32, #tpu.memory_space<hbm>>
      tpu.enqueue_dma source(%arg9 : memref<8x16x128xf32, #tpu.memory_space<vmem>>) target(%dma_start3A_154 : memref<8x16x128xf32, #tpu.memory_space<hbm>>) target_semaphore(%arg13 : memref<!tpu.dma_semaphore, #tpu.memory_space<semaphore_mem>>)
      %add3A_155 = arith.constant 2 : i32
      %add3A_156 = arith.addi %add3A_94, %add3A_155 : i32
      %lt3A_157 = arith.constant 100 : i32
      %lt3A_158 = arith.cmpi slt, %add3A_156, %lt3A_157 : i32
      %convert_element_type3A_159 = arith.extui %lt3A_158 : i1 to i32
      %cond3A_160 = arith.constant 0 : i32
      %cond3A_161 = arith.cmpi ne, %convert_element_type3A_159, %cond3A_160 : i32
      scf.if %cond3A_161 {
        %add3A_162 = arith.constant 2 : i32
        %add3A_163 = arith.addi %add3A_94, %add3A_162 : i32
        %jit3A_164 = arith.constant 4 : i32
        %div3A_165 = arith.divsi %add3A_163, %jit3A_164 : i32
        %sign3A_166 = arith.constant 0 : i32
        %sign3A_167 = arith.cmpi sgt, %add3A_163, %sign3A_166 : i32
        %sign3A_168 = arith.extui %sign3A_167 : i1 to i32
        %sign3A_169 = arith.constant 0 : i32
        %sign3A_170 = arith.cmpi slt, %add3A_163, %sign3A_169 : i32
        %sign3A_171 = arith.extui %sign3A_170 : i1 to i32
        %sign3A_172 = arith.subi %sign3A_168, %sign3A_171 : i32
        %sign3A_173 = arith.constant 0 : i32
        %sign3A_174 = arith.cmpi sgt, %jit3A_164, %sign3A_173 : i32
        %sign3A_175 = arith.extui %sign3A_174 : i1 to i32
        %sign3A_176 = arith.constant 0 : i32
        %sign3A_177 = arith.cmpi slt, %jit3A_164, %sign3A_176 : i32
        %sign3A_178 = arith.extui %sign3A_177 : i1 to i32
        %sign3A_179 = arith.subi %sign3A_175, %sign3A_178 : i32
        %ne3A_180 = arith.cmpi ne, %sign3A_172, %sign3A_179 : i32
        %rem3A_181 = arith.remsi %add3A_163, %jit3A_164 : i32
        %ne3A_182 = arith.constant 0 : i32
        %ne3A_183 = arith.cmpi ne, %rem3A_181, %ne3A_182 : i32
        %and3A_184 = arith.andi %ne3A_180, %ne3A_183 : i1
        %sub3A_185 = arith.constant 1 : i32
        %sub3A_186 = arith.subi %div3A_165, %sub3A_185 : i32
        %select_n3A_187 = arith.select %and3A_184, %sub3A_186, %div3A_165 : i32
        %mul3A_188 = arith.constant 8 : i32
        %mul3A_189 = arith.muli %select_n3A_187, %mul3A_188 : i32
        %jit3A_190 = arith.constant 4 : i32
        %eq3A_191 = arith.constant 0 : i32
        %eq3A_192 = arith.cmpi eq, %jit3A_190, %eq3A_191 : i32
        %jit3A_193 = arith.constant 1 : i32
        %select_n3A_194 = arith.select %eq3A_192, %jit3A_193, %jit3A_190 : i32
        %rem3A_195 = arith.remsi %add3A_163, %select_n3A_194 : i32
        %ne3A_196 = arith.constant 0 : i32
        %ne3A_197 = arith.cmpi ne, %rem3A_195, %ne3A_196 : i32
        %lt3A_198 = arith.constant 0 : i32
        %lt3A_199 = arith.cmpi slt, %rem3A_195, %lt3A_198 : i32
        %lt3A_200 = arith.constant 0 : i32
        %lt3A_201 = arith.cmpi slt, %select_n3A_194, %lt3A_200 : i32
        %ne3A_202 = arith.xori %lt3A_199, %lt3A_201 : i1
        %and3A_203 = arith.andi %ne3A_202, %ne3A_197 : i1
        %add3A_204 = arith.addi %rem3A_195, %select_n3A_194 : i32
        %select_n3A_205 = arith.select %and3A_203, %add3A_204, %rem3A_195 : i32
        %mul3A_206 = arith.constant 128 : i32
        %mul3A_207 = arith.muli %select_n3A_205, %mul3A_206 : i32
        %add3A_208 = arith.addi %mul3A_2, %mul3A_207 : i32
        %dma_start3A_209 = tpu.memref_slice %arg2[%mul3A_189, %add3A_208] : memref<200x16384xi32, #tpu.memory_space<hbm>> -> memref<8x128xi32, #tpu.memory_space<hbm>>
        %dma_start3A_210 = tpu.memref_slice %arg2[%mul3A_189, %add3A_208] : memref<200x16384xi32, #tpu.memory_space<hbm>> -> memref<8x128xi32, #tpu.memory_space<hbm>>
        tpu.enqueue_dma source(%dma_start3A_210 : memref<8x128xi32, #tpu.memory_space<hbm>>) target(%arg7 : memref<8x128xi32, #tpu.memory_space<vmem>>) target_semaphore(%arg11 : memref<!tpu.dma_semaphore, #tpu.memory_space<semaphore_mem>>)
      } else {
      }
    }
    %scan3A_18 = arith.constant 50 : i32
    %dma_wait3A = arith.constant 0 : i32
    %dma_wait3A_19 = arith.constant 0 : i32
    %dma_wait3A_20 = arith.constant 0 : i32
    %dma_wait3A_21 = tpu.memref_slice %arg4[%dma_wait3A, %dma_wait3A_19, %dma_wait3A_20] : memref<200x16x16384xf32, #tpu.memory_space<hbm>> -> memref<8x16x128xf32, #tpu.memory_space<hbm>>
    %dma_wait3A_22 = arith.constant 0 : i32
    %dma_wait3A_23 = arith.constant 0 : i32
    %dma_wait3A_24 = arith.constant 0 : i32
    %dma_wait3A_25 = tpu.memref_slice %arg4[%dma_wait3A_22, %dma_wait3A_23, %dma_wait3A_24] : memref<200x16x16384xf32, #tpu.memory_space<hbm>> -> memref<8x16x128xf32, #tpu.memory_space<hbm>>
    tpu.wait_dma2 semaphore(%arg12 : memref<!tpu.dma_semaphore, #tpu.memory_space<semaphore_mem>>) src(%arg8 : memref<8x16x128xf32, #tpu.memory_space<vmem>>) dst(%dma_wait3A_25 : memref<8x16x128xf32, #tpu.memory_space<hbm>>)
    %dma_wait3A_26 = arith.constant 0 : i32
    %dma_wait3A_27 = arith.constant 0 : i32
    %dma_wait3A_28 = arith.constant 0 : i32
    %dma_wait3A_29 = tpu.memref_slice %arg4[%dma_wait3A_26, %dma_wait3A_27, %dma_wait3A_28] : memref<200x16x16384xf32, #tpu.memory_space<hbm>> -> memref<8x16x128xf32, #tpu.memory_space<hbm>>
    %dma_wait3A_30 = arith.constant 0 : i32
    %dma_wait3A_31 = arith.constant 0 : i32
    %dma_wait3A_32 = arith.constant 0 : i32
    %dma_wait3A_33 = tpu.memref_slice %arg4[%dma_wait3A_30, %dma_wait3A_31, %dma_wait3A_32] : memref<200x16x16384xf32, #tpu.memory_space<hbm>> -> memref<8x16x128xf32, #tpu.memory_space<hbm>>
    tpu.wait_dma2 semaphore(%arg13 : memref<!tpu.dma_semaphore, #tpu.memory_space<semaphore_mem>>) src(%arg9 : memref<8x16x128xf32, #tpu.memory_space<vmem>>) dst(%dma_wait3A_33 : memref<8x16x128xf32, #tpu.memory_space<hbm>>)
    return
  }
}

</mosaic_0001>

<sc_bundles>
// kernel: kernel.3.cloned.1.call-start
scs
__scs_entry_jumppad:
0x0: {  	(pc) =	sbr.rel $0x88, $3  }
0x1: {  	(tag) =	ssettag $0x0;
	lr =	simm.s32 $0x1  }
0x2: {  	[smem:$0x3F9F] =	sst lr;
	_ =	strace $0xD0000000  }
0x3: {  	_ = 	snop  }
0x4: {  	_ = 	snop  }
0x5: {  	_ = 	snop  }
0x6: {  	_ = 	snop  }
0x7: {  	_ = 	snop  }
__scs_overlays_trampoline_lowered:
0x8: {  	[smem:$0x3FAE] =	sst s0  }
0x9: {  	[smem:$0x3FAF] =	sst s1  }
0xa: {  	[smem:$0x3FB0] =	sst s2  }
0xb: {  	[smem:$0x3FB1] =	sst s3  }
0xc: {  	[smem:$0x3FB2] =	sst s4  }
0xd: {  	[smem:$0x3FB3] =	sst s5  }
0xe: {  	[smem:$0x3FB4] =	sst s6  }
0xf: {  	[smem:$0x3FB5] =	sst s7  }
0x10: {  	[smem:$0x3FB6] =	sst s8  }
0x11: {  	[smem:$0x3FB7] =	sst s9;
	s0 =	simm.s32 @!p0 $0x0  }
0x12: {  	s1 =	sld [smem:$0x3F9D];
	s0 =	simm.s32 @p0 $0x1  }
0x13: {  	[smem:$0x3FB8] =	sst s0;
	s0 =	simm.s32 @!p1 $0x0  }
0x14: {  	s2 =	sld [smem:$0x3F9C];
	s0 =	simm.s32 @p1 $0x1  }
0x15: {  	[smem:$0x3FB9] =	sst s0;
	s0 =	simm.s32 @!p2 $0x0  }
0x16: {  	s3 =	sld [smem:$0x3FDB];
	s0 =	simm.s32 @p2 $0x1  }
0x17: {  	s4 =	simm.s32 $0x1BF5;
	[smem:$0x3FBB] =	sst s0  }
0x18: {  	s0 =	sld [smem:$0x3F9E];
	_ =	swait.ge [sflag:s4], $0x0  }
0x19: {  	s7 =	sld [smem:$0x3F9F]  }
0x1a: {  	s8 =	sadd.s32 $0xFFFFE003, lr  }
0x1b: {  	s9 =	sadd.s32 $0xFFFFFEF7, lr;
	s5 =	simm.s32 $0xFFFFFFFF;
	p2 =	slt.u32 s8, $0xFFFFF086  }
0x1c: {  	p1 =	slt.u32 s9, $0xF7A;
	s5 =	simm.s32 @!p2 $0x0  }
0x1d: {  	s5 =	simm.s32 @p1 $0x1;
	p0 =	seq.s32 s7, s2  }
0x1e: {  	s7 =	smul.u32 @!p0 $0xF7A, s2;
	p2 =	seq.s32 @!p0 s5, $0x0  }
0x1f: {  	s9 =	smul.u32 $0xF7A, s1;
	s8 =	simm.s32 @!p0 $0x1BF5;
	p2 =	por !p2, p0  }
0x20: {  	[sflag:s8] =	ssyncset.s32 @!p0 $0xFFFFF086;
	s6 =	sadd.s32 @!p0 s3, s7;
	s7 =	simm.s32 @!p0 $0x108  }
0x21: {  	s3 =	sadd.s32 s3, s9;
	s6 =	sadd.s32 @!p0 $0x88, s6;
	s7 =	simm.s32 @p2 $0x1082  }
0x22: {  	[simem:s7], [sflag:s8] =	dma.local @!p0 [hbm:s6], $0xF7A  }
0x23: {  	s9 =	sor.u32 $0xD0000000, s2;
	s6 =	simm.s32 $0x108;
	_ =	swait.ge @!p0 [sflag:s8], $0x0  }
0x24: {  	s3 =	sadd.s32 $0x88, s3;
	s6 =	simm.s32 @!p1 $0x1082;
	[sflag:s4] =	ssyncset.s32 $0xFFFFF086  }
0x25: {  	[simem:s6], [sflag:s4] =	dma.local [hbm:s3], $0xF7A  }
0x26: {  	[smem:$0x3F9F] =	sst s1;
	(tag) =	ssettag s2;
	_ =	strace s9  }
0x27: {  	s1 =	sld [smem:$0x3FAF]  }
0x28: {  	s2 =	sld [smem:$0x3FB0]  }
0x29: {  	s4 =	sld [smem:$0x3FB2]  }
0x2a: {  	p0 =	seq.s32 s5, $0x0;
	s5 =	sld [smem:$0x3FB3]  }
0x2b: {  	s6 =	sld [smem:$0x3FB4]  }
0x2c: {  	s7 =	sld [smem:$0x3FB5]  }
0x2d: {  	s3 =	simm.s32 $0x108;
	s8 =	sld [smem:$0x3FB6]  }
0x2e: {  	s3 =	simm.s32 @!p0 $0x1082;
	s9 =	sld [smem:$0x3FB7]  }
0x2f: {  	lr =	sadd.s32 s0, s3;
	s0 =	sld [smem:$0x3FAE]  }
0x30: {  	s3 =	sld [smem:$0x3FB1]  }
0x31: {  	[smem:$0x3FBA] =	sst s10  }
0x32: {  	s10 =	sld [smem:$0x3FB8];
	_ =	sdelay $0x3  }
0x33: {  	p0 =	seq.s32 s10, $0x1;
	s10 =	sld [smem:$0x3FBA];
	_ =	sdelay $0x3  }
0x34: {  	[smem:$0x3FBA] =	sst s10  }
0x35: {  	s10 =	sld [smem:$0x3FB9];
	_ =	sdelay $0x3  }
0x36: {  	p1 =	seq.s32 s10, $0x1;
	s10 =	sld [smem:$0x3FBA];
	_ =	sdelay $0x3  }
0x37: {  	[smem:$0x3FBA] =	sst s10  }
0x38: {  	s10 =	sld [smem:$0x3FBB]  }
0x39: {  	_ = 	snop;
	(pc) =	sbr.ind lr, $3  }
0x3a: {  	_ = 	snop  }
0x3b: {  	_ = 	snop  }
0x3c: {  	p2 =	seq.s32 s10, $0x1;
	s10 =	sld [smem:$0x3FBA]  }
0x3d: {  	_ =	shalt  }
0x3e: {  	_ =	shalt  }
0x3f: {  	_ =	shalt  }
0x40: {  	_ =	shalt  }
0x41: {  	_ =	shalt  }
0x42: {  	_ =	shalt  }
0x43: {  	_ =	shalt  }
0x44: {  	_ =	shalt  }
0x45: {  	_ =	shalt  }
0x46: {  	_ =	shalt  }
0x47: {  	_ =	shalt  }
0x48: {  	_ =	shalt  }
0x49: {  	_ =	shalt  }
0x4a: {  	_ =	shalt  }
0x4b: {  	_ =	shalt  }
0x4c: {  	_ =	shalt  }
0x4d: {  	_ =	shalt  }
0x4e: {  	_ =	shalt  }
0x4f: {  	_ =	shalt  }
0x50: {  	_ =	shalt  }
0x51: {  	_ =	shalt  }
0x52: {  	_ =	shalt  }
0x53: {  	_ =	shalt  }
0x54: {  	_ =	shalt  }
0x55: {  	_ =	shalt  }
0x56: {  	_ =	shalt  }
0x57: {  	_ =	shalt  }
0x58: {  	_ =	shalt  }
0x59: {  	_ =	shalt  }
0x5a: {  	_ =	shalt  }
0x5b: {  	_ =	shalt  }
0x5c: {  	_ =	shalt  }
0x5d: {  	_ =	shalt  }
0x5e: {  	_ =	shalt  }
0x5f: {  	_ =	shalt  }
0x60: {  	_ =	shalt  }
0x61: {  	_ =	shalt  }
0x62: {  	_ =	shalt  }
0x63: {  	_ =	shalt  }
0x64: {  	_ =	shalt  }
0x65: {  	_ =	shalt  }
0x66: {  	_ =	shalt  }
0x67: {  	_ =	shalt  }
0x68: {  	_ =	shalt  }
0x69: {  	_ =	shalt  }
0x6a: {  	_ =	shalt  }
0x6b: {  	_ =	shalt  }
0x6c: {  	_ =	shalt  }
0x6d: {  	_ =	shalt  }
0x6e: {  	_ =	shalt  }
0x6f: {  	_ =	shalt  }
0x70: {  	_ =	shalt  }
0x71: {  	_ =	shalt  }
0x72: {  	_ =	shalt  }
0x73: {  	_ =	shalt  }
0x74: {  	_ =	shalt  }
0x75: {  	_ =	shalt  }
0x76: {  	_ =	shalt  }
0x77: {  	_ =	shalt  }
0x78: {  	_ =	shalt  }
0x79: {  	_ =	shalt  }
0x7a: {  	_ =	shalt  }
0x7b: {  	_ =	shalt  }
0x7c: {  	_ =	shalt  }
0x7d: {  	_ =	shalt  }
0x7e: {  	_ =	shalt  }
0x7f: {  	_ =	shalt  }
0x80: {  	_ =	shalt  }
0x81: {  	_ =	shalt  }
0x82: {  	_ =	shalt  }
0x83: {  	_ =	shalt  }
0x84: {  	_ =	shalt  }
0x85: {  	_ =	shalt  }
0x86: {  	_ =	shalt  }
0x87: {  	_ =	shalt  }
.Lfunc_end0:
.L_simem_size_0:
called_computation_lowered:
.L_overlay_start_0:
0x88: {  	s2 =	sld [smem:$0x3FD9]  }
0x89: {  	s3 =	sld [smem:$0x3FFE];
	_ =	sdelay $0x1  }
0x8a: {  	s1 =	srdreg.scid  }
0x8b: {  	s0 =	sand.u32 $0x1, s1  }
0x8c: {  	s17 =	sshll.u32 s0, $0xA;
	s2 =	sadd.s32 s3, s2  }
0x8d: {  	s2 =	sadd.s32 s2, s17  }
0x8e: {  	[smem:$0x3FC6] =	sst s2  }
0x8f: {  	_ = 	snop  }
0x90: {  	s2 =	sld [smem:$0x3FC9]  }
0x91: {  	s18 =	sld [smem:$0x3FD0];
	(tm) =	ssettm $0x1  }
0x92: {  	s4 =	sld [smem:$0x3FFB];
	_ =	sdelay $0x3  }
0x93: {  	_ =	strace s4  }
0x94: {  	s4 =	sld [smem:$0x3FFC];
	_ =	sdelay $0x3  }
0x95: {  	_ =	strace s4  }
0x96: {  	s4 =	sld [smem:$0x3FFD];
	_ =	sdelay $0x3  }
0x97: {  	_ =	strace s4  }
0x98: {  	_ =	strace $0x8FFFFFFF  }
0x99: {  	s19 =	sld [smem:$0x3FDB];
	_ =	sdelay $0x1  }
0x9a: {  	s5 =	simm.s32 $_scs_section_size  }
0x9b: {  	s6 =	simm.s32 $_size__tile_overlayer_lowered;
	s7 =	simm.s32 $_tile_overlayer_lowered  }
0x9c: {  	s22 =	simm.s32 $0x1BFF;
	s21 =	sshll.u32 s7, $0x1;
	s4 =	sadd.s32 s5, s19  }
0x9d: {  	s8 =	simm.s32 $0x0;
	s20 =	sshll.u32 s6, $0x1;
	s6 =	sadd.s32 s21, s4  }
0x9e: {  	[timem:s8], [sflag:s22] =	dma.local [hbm:s6], s20  }
0x9f: {  	_ =	swait.ge [sflag:s22], s20  }
0xa0: {  	s5 =	ssub.s32 $0x0, s20;
	[sflag:s22] =	ssyncset.done $0x0  }
0xa1: {  	[sflag:s22] =	ssyncadd.s32 s5;
	_ =	sdelay $0x1  }
0xa2: {  	s23 =	simm.s32 $0x1B8B  }
0xa3: {  	_ =	swait.ge [sflag:s23], $0x1  }
0xa4: {  	[sflag:s23] =	ssyncset.done $0x0  }
0xa5: {  	s25 =	simm.s32 $0x1B8E;
	s24 =	sld [smem:$0x3FFE];
	[sflag:s23] =	ssyncadd.s32 $0xFFFFFFFF  }
0xa6: {  	s26 =	simm.s32 $execute0_lowered;
	[smem:$0x3FD2] =	sst s25  }
0xa7: {  	s6 =	sshll.u32 s26, $0x1;
	_ =	strace $0x80000046;
	[dreg:$0x1] =	wrdreg $0xFFFFFFFF  }
0xa8: {  	s28 =	simm.s32 $_size_execute0_lowered;
	s4 =	sadd.s32 s4, s6;
	[dreg:$0x0] =	wrdreg $0x0  }
0xa9: {  	s6 =	sshll.u32 s28, $0x1;
	[dreg:$0x2] =	wrdreg s4  }
0xaa: {  	[dreg:$0x3] =	wrdreg s6  }
0xab: {  	[dreg:$0x4] =	wrdreg $0xC0  }
0xac: {  	_ =	task [dreg:s8], $0x5FFFF  }
0xad: {  	[dreg:$0x1] =	wrdreg $0xFFFFFFFF  }
0xae: {  	[dreg:$0x0] =	wrdreg $0x60  }
0xaf: {  	[dreg:$0x2] =	wrdreg s2  }
0xb0: {  	[dreg:$0x3] =	wrdreg s24  }
0xb1: {  	[dreg:$0x4] =	wrdreg s18  }
0xb2: {  	[dreg:$0x5] =	wrdreg $0x9  }
0xb3: {  	_ =	task.clear_ibuf [dreg:s8], $0x6FFFF;
	_ =	strace $0x90000046  }
0xb4: {  	s29 =	simm.s32 $0x9;
	_ =	strace $0x80000048  }
0xb5: {  	_ =	swait.ge [sflag:s29], $0x1  }
0xb6: {  	[sflag:s29] =	ssyncadd.s32 $0xFFFFFFFF  }
0xb7: {  	_ =	strace $0x90000048  }
0xb8: {  	_ =	sfence  }
0xb9: {  	s30 =	sld [smem:$0x0];
	_ =	sdelay $0x2  }
0xba: {  	s31 =	sshll.u32 s1, $0xD;
	s1 =	sshrl.u32 s1, $0x2  }
0xbb: {  	s3 =	sand.u32 $0x4000, s31;
	s1 =	sadd.s32 s1, s30  }
0xbc: {  	s0 =	sor.u32 s3, s0;
	s1 =	sshll.u32 s1, $0x11  }
0xbd: {  	s0 =	sor.u32 s1, s0  }
0xbe: {  	s0 =	sadd.s32 $0x8F2B, s0  }
0xbf: {  	[sflag:s0] =	ssyncadd.remote.s32 $0x1  }
0xc0: {  	_ =	sfence.sel $0xFFFF  }
0xc1: {  	[dreg:$0x0] =	wrdreg $0xFFFFFFFF;
	(pc) =	sbr.abs _section_cstart, $3  }
0xc2: {  	[dreg:$0x1] =	wrdreg $0xFFFFFFFF  }
0xc3: {  	_ =	task.clear_ibuf [dreg:s8], $0x2FFFF;
	_ =	strace $0x9FFFFFFF  }
0xc4: {  	(tm) =	ssettm $0x7FFFFFFF  }
0xc5: {  	_ =	shalt  }
tec
execute0_lowered:
.L_overlay_start_1:
0x0: {  	(tag) =	ssettag $0x1  }
0x1: {  	s5 =	rddreg [dreg:$0x0]  }
0x2: {  	s6 =	rddreg [dreg:$0x1]  }
0x3: {  	s2 =	rddreg [dreg:$0x2];
	s3 =	srdreg.scid  }
0x4: {  	s0 =	stileid.u32;
	s14 =	simm.s32 $0x5;
	s15 =	simm.s32 $0x180  }
0x5: {  	s16 =	simm.s32 $0x580;
	s17 =	simm.s32 $0x1;
	s18 =	simm.s32 $0x400  }
0x6: {  	s19 =	simm.s32 $0x980;
	s20 =	simm.s32 $0x2;
	s21 =	simm.s32 $0x4980  }
0x7: {  	s22 =	simm.s32 $0x3;
	s23 =	simm.s32 $0x20000;
	s24 =	simm.s32 $0x4  }
0x8: {  	s25 =	simm.s32 $0x0;
	s4 =	sand.u32 $0x1, s3;
	s3 =	simm.s32 $0x0  }
0x9: {  	s7 =	sshll.u32 s0, $0xA;
	s6 =	sadd.s32 $0x400, s6;
	s8 =	sshll.u32 s4, $0x9  }
.Ltmp0:
0xa: {  	[smem:$0x7FF] =	sst s3;
	s9 =	ssub.s32 $0x2, s4;
	(pc) =	sbr.rel .LBB2_1-.Ltmp0, $4  }
0xb: {  	s4 =	sor.u32 s8, s7;
	_ =	strace $0x80000047;
	s31 =	sshrl.u32 s9, $0x1  }
0xc: {  	s8 =	sadd.s32 $0x80, s2;
	s5 =	sadd.s32 s5, s4;
	s9 =	ssub.s32 s9, s31  }
0xd: {  	s10 =	sadd.s32 s2, s4;
	s12 =	sadd.s32 s4, s8;
	s7 =	sadd.s32 $0x80, s5  }
0xe: {  	s9 =	smax.u32 s9, $0x1;
	s11 =	sadd.s32 $0x100, s5;
	s13 =	sadd.s32 $0x180, s5  }
.LBB2_4:
0xf: {  	s25 =	sadd.s32 $0x1, s25  }
0x10: {  	_ =	swait.ge [sflag:s22], $0x4000;
	p0 =	sne.s32 s25, s9  }
.Ltmp1:
0x11: {  	[sflag:s22] =	ssyncset.done $0x0;
	(pc) =	sbr.rel @!p0 .LBB2_5-.Ltmp1, $4  }
0x12: {  	[sflag:s22] =	ssyncadd.s32 $0xFFFFC000  }
0x13: {  	_ =	swait.ge [sflag:s24], $0x4000  }
0x14: {  	[sflag:s24] =	ssyncset.done $0x0  }
0x15: {  	[sflag:s24] =	ssyncadd.s32 $0xFFFFC000  }
.LBB2_1:
0x16: {  	[tilespmem:s3], [sflag:$0x5] =	stream.linear.gather [hbm4b:s6+s3], $0x180, $0x38;
	[tilespmem:$0x8980] =	vst v63  }
0x17: {  	_ =	swait.ge [sflag:s14], $0x180  }
0x18: {  	[sflag:s14] =	ssyncset.done $0x0  }
0x19: {  	[sflag:s14] =	ssyncadd.s32 $0xFFFFFE80  }
0x1a: {  	[tilespmem:s15], [sflag:$0x1] =	stream.linear.gather [hbm4b:s5+s3], $0x400, $0x38;
	[tilespmem:$0x8980] =	vst v63  }
0x1b: {  	_ = 	snop  }
0x1c: {  	[tilespmem:s16], [sflag:$0x2] =	stream.linear.gather [hbm4b:s7+s3], $0x400, $0x38;
	[tilespmem:$0x8980] =	vst v63  }
0x1d: {  	_ =	swait.ge [sflag:s17], $0x400  }
0x1e: {  	[sflag:s17] =	ssyncset.done $0x0  }
0x1f: {  	[sflag:s17] =	ssyncadd.s32 $0xFFFFFC00  }
0x20: {  	[hbm4b:s10+s18] =	stream.strided.scatter [tilespmem:s19], [sflag:$0x3], $0x4000, s23, s18, $0x38;
	[tilespmem:$0x8980] =	vst v63  }
0x21: {  	_ = 	snop  }
0x22: {  	[tilespmem:s15], [sflag:$0x1] =	stream.linear.gather [hbm4b:s11+s3], $0x400, $0x38;
	[tilespmem:$0x8980] =	vst v63  }
0x23: {  	_ =	swait.ge [sflag:s20], $0x400  }
0x24: {  	[sflag:s20] =	ssyncset.done $0x0  }
0x25: {  	[sflag:s20] =	ssyncadd.s32 $0xFFFFFC00  }
0x26: {  	[hbm4b:s12+s18] =	stream.strided.scatter [tilespmem:s21], [sflag:$0x4], $0x4000, s23, s18, $0x38;
	[tilespmem:$0x8980] =	vst v63  }
0x27: {  	s26 =	simm.s32 $0x5000;
	s28 =	simm.s32 $0x280;
	s29 =	simm.s32 $0x20000  }
0x28: {  	[tilespmem:s16], [sflag:$0x2] =	stream.linear.gather [hbm4b:s13+s3], $0x400, $0x38;
	[tilespmem:$0x8980] =	vst v63  }
.LBB2_2:
0x29: {  	_ =	swait.ge [sflag:s17], $0x400;
	s30 =	sadd.s32 $0xFFFFFE80, s28;
	s31 =	sand.u32 $0x7C0000, s29  }
0x2a: {  	p0 =	seq.s32 s28, $0x3280;
	[sflag:s17] =	ssyncset.done $0x0;
	s30 =	sand.u32 $0x100, s30  }
0x2b: {  	s0 =	sadd.s32 @!p0 $0xFFFFF000, s26;
	[sflag:s17] =	ssyncadd.s32 $0xFFFFFC00;
	s30 =	sor.u32 s30, s31  }
0x2c: {  	s31 =	sadd.s32 @!p0 $0xFFFFFF80, s28;
	s0 =	sand.u32 @!p0 $0xFC000, s0;
	_ =	swait.ge [sflag:s22], $0x4000  }
0x2d: {  	s30 =	sor.u32 s4, s30;
	s31 =	sand.u32 @!p0 $0x100, s31;
	[sflag:s22] =	ssyncset.done $0x0  }
0x2e: {  	s1 =	sadd.s32 s2, s30;
	s0 =	sor.u32 @!p0 s0, s31;
	[sflag:s22] =	ssyncadd.s32 $0xFFFFC000  }
0x2f: {  	[hbm4b:s1+s18] =	stream.strided.scatter [tilespmem:s19], [sflag:$0x3], $0x4000, s23, s18, $0x38;
	[tilespmem:$0x8980] =	vst v63  }
0x30: {  	s31 =	simm.s32 @!p0 $0x0;
	s0 =	sadd.s32 @!p0 s0, s5;
	s1 =	simm.s32 @!p0 $0x180  }
0x31: {  	[tilespmem:s1], [sflag:$0x1] =	stream.linear.gather @!p0 [hbm4b:s0+s31], $0x400, $0x38;
	[tilespmem:$0x8980] =	vst v63  }
0x32: {  	_ =	swait.ge [sflag:s20], $0x400  }
0x33: {  	[sflag:s20] =	ssyncset.done $0x0  }
.Ltmp2:
0x34: {  	[sflag:s20] =	ssyncadd.s32 $0xFFFFFC00;
	(pc) =	sbr.rel @p0 .LBB2_4-.Ltmp2, $4  }
0x35: {  	_ =	swait.ge [sflag:s24], $0x4000  }
0x36: {  	[sflag:s24] =	ssyncset.done $0x0  }
0x37: {  	s31 =	sadd.s32 s30, s8;
	[sflag:s24] =	ssyncadd.s32 $0xFFFFC000  }
0x38: {  	[hbm4b:s31+s18] =	stream.strided.scatter [tilespmem:s21], [sflag:$0x4], $0x4000, s23, s18, $0x38;
	[tilespmem:$0x8980] =	vst v63  }
.Ltmp3:
0x39: {  	(pc) =	sbr.rel .LBB2_2-.Ltmp3, $4  }
0x3a: {  	s0 =	sand.u32 $0x180, s28;
	s1 =	sand.u32 $0xFC000, s26  }
0x3b: {  	s26 =	sadd.s32 $0x2000, s26;
	s0 =	sor.u32 s1, s0  }
0x3c: {  	s28 =	sadd.s32 $0x100, s28;
	s29 =	sadd.s32 $0x20000, s29;
	s0 =	sadd.s32 s0, s5  }
0x3d: {  	[tilespmem:s16], [sflag:$0x2] =	stream.linear.gather [hbm4b:s0+s3], $0x400, $0x38;
	[tilespmem:$0x8980] =	vst v63  }
.LBB2_5:
0x3e: {  	_ =	sfence.sel $0x180000  }
0x3f: {  	[bflag:$0x0] =	sbarrier.arrive $0xFFFF  }
0x40: {  	_ =	strace $0x90000047  }
0x41: {  	s0 =	stileid.u32;
	[bflag:$0x2] =	sbarrier.arrive $0xFFFF  }
0x42: {  	p0 =	sne.s32 s0, $0x0;
	s0 =	rddreg [dreg:$0x3]  }
0x43: {  	s0 =	sadd.s32 @!p0 $0x100000, s0  }
0x44: {  	[sflag:s0] =	ssyncadd.tile.s32 @!p0 $0x1;
	_ =	shalt  }
.Lfunc_end2:
_tile_overlayer_lowered:
.L_overlay_start_2:
0x45: {  	(tag) =	ssettag $0x2  }
0x46: {  	s0 =	rddreg [dreg:$0x0];
	s2 =	stileid.u32  }
0x47: {  	s1 =	rddreg [dreg:$0x1];
	p0 =	sne.s32 s2, $0x0  }
0x48: {  	s3 =	rddreg [dreg:$0x2];
	[bflag:$0x3] =	sbarrier.arrive $0xFFFF;
	s2 =	simm.s32 @!p0 $0x1C05  }
0x49: {  	[timem:s3], [sflag:s2] =	dma.local @!p0 [hbm:s0], s1  }
0x4a: {  	s0 =	simm.s32 @!p0 $0x5  }
0x4b: {  	_ =	swait.ge @!p0 [sflag:s0], s1  }
0x4c: {  	s1 =	ssub.s32 @!p0 $0x0, s1;
	[sflag:s0] =	ssyncset.done @!p0 $0x0  }
0x4d: {  	[sflag:s0] =	ssyncadd.s32 @!p0 s1  }
0x4e: {  	[bflag:$0x3] =	sbarrier.arrive $0xFFFF  }
0x4f: {  	_ =	shalt  }

</sc_bundles>
